<compile_context>
chip_gen: v7x
topology: tpu7x:2x2x1
jax: 0.10.2.dev20260603
libtpu: 0.0.44.dev20260713+nightly
codegen_flags: <defaults>
</compile_context>

<pallas_src>
import jax
import jax.numpy as jnp
from jax import lax
from jax.experimental import pallas as pl
from jax.experimental.pallas import tpu as pltpu
from jax.experimental.pallas import tpu_sc as plsc

N_NODES = 10000
N_EDGES = 320000
D_FEAT = 128
DH = 8

NC, NS, LANES = 2, 16, 16
NW = NC * NS
E_BASE = N_EDGES // NW
E_TAIL = 128
EW = E_BASE + E_TAIL
EW = E_BASE
N_PAD = 10112
ROWS_W = N_PAD // NS


def _mm_body(x_ref, w_ref, o_ref):
    o_ref[...] = jnp.dot(x_ref[...], w_ref[...],
                         preferred_element_type=jnp.float32)


def _matmul(x, w):
    return pl.pallas_call(
        _mm_body,
        out_shape=jax.ShapeDtypeStruct((N_NODES, DH), jnp.float32),
    )(x, w)


def _sc_body(y_hbm, ei_hbm, z_hbm, out_hbm,
             sidx, didx, rows, zbuf, acc_sh, sem):
    c = lax.axis_index("c")
    s = lax.axis_index("s")
    wid = c * NS + s

    pltpu.sync_copy(z_hbm, zbuf)
    pltpu.sync_copy(zbuf, acc_sh.at[pl.ds(s * ROWS_W, ROWS_W)])

    start = wid * EW
    pltpu.sync_copy(ei_hbm.at[0, pl.ds(start, EW)], sidx)
    pltpu.sync_copy(ei_hbm.at[1, pl.ds(start, EW)], didx)
    plsc.subcore_barrier()

    pltpu.async_copy(y_hbm.at[sidx], rows, sem).wait()
    pltpu.sync_copy(rows, acc_sh.at[didx], add=True)
    plsc.subcore_barrier()

    pltpu.sync_copy(acc_sh.at[pl.ds(s * ROWS_W, ROWS_W)], zbuf)
    pltpu.sync_copy(zbuf, out_hbm.at[c, pl.ds(s * ROWS_W, ROWS_W)])


def _scatter(y, ei, zrows):
    mesh = plsc.VectorSubcoreMesh(core_axis_name="c", subcore_axis_name="s",
                                  num_cores=NC, num_subcores=NS)
    f = pl.kernel(
        _sc_body,
        out_type=jax.ShapeDtypeStruct((NC, N_PAD, DH), jnp.float32),
        mesh=mesh,
        compiler_params=pltpu.CompilerParams(use_tc_tiling_on_sc=False),
        scratch_types=[
            pltpu.VMEM((EW,), jnp.int32),
            pltpu.VMEM((EW,), jnp.int32),
            pltpu.VMEM((EW, DH), jnp.float32),
            pltpu.VMEM((ROWS_W, DH), jnp.float32),
            pltpu.VMEM_SHARED((N_PAD, DH), jnp.float32),
            pltpu.SemaphoreType.DMA,
        ],
    )
    return f(y, ei, zrows)


FR = N_PAD * DH // 128
FR_REAL = N_NODES * DH // 128


def _fin_body(a_ref, b_ref, wd_ref, bd_ref, o_ref):
    a = a_ref[pl.ds(0, FR)] + a_ref[pl.ds(FR, FR)]
    h = jnp.maximum(a + b_ref[...], 0.0)
    rid = lax.broadcasted_iota(jnp.int32, (FR, 128), 0)
    h = jnp.where(rid < FR_REAL, h, 0.0)
    pooled = jnp.sum(h, axis=0, keepdims=True)
    o_ref[...] = jnp.sum(pooled * wd_ref[...], axis=1, keepdims=True) + bd_ref[...]


def _finish(aview, btile, wdtile, bd11):
    return pl.pallas_call(
        _fin_body,
        out_shape=jax.ShapeDtypeStruct((1, 1), jnp.float32),
    )(aview, btile, wdtile, bd11)


def kernel(x, edge_index, W, b, Wd, bd):
    f32 = jnp.float32
    ei = edge_index.astype(jnp.int32)
    y = _matmul(x, W.astype(f32))
    zrows = jnp.zeros((ROWS_W, DH), f32)

    accs = _scatter(y, ei, zrows)
    aview = accs.reshape(2 * FR, 128)

    btile = jnp.tile(b.astype(f32), 128 // DH).reshape(1, 128)
    wdtile = jnp.tile(Wd[:, 0].astype(f32), 128 // DH).reshape(1, 128)
    return _finish(aview, btile, wdtile, bd.astype(f32).reshape(1, 1))

# --- scband reference (transcript-rebuilt; emitter-appended) ---
"""Pipeline reference for scband-net-82489141887386 (READ-ONLY COPY).

The authoritative reference and input builder live on the scoring server;
editing this copy changes nothing except your own understanding.
"""

import jax, jax.numpy as jnp
import numpy as np

N_NODES = 10000
N_EDGES = 320000
D_FEAT = 128
D_HIDDEN = 8


def setup_inputs(seed: int = 0) -> dict:
    key = jax.random.key(seed)
    k1, k2, k3, k4, k5, k6 = jax.random.split(key, 6)
    x = jax.random.normal(k1, (N_NODES, D_FEAT), dtype=jnp.float32)
    edge_index = jax.random.randint(k2, (2, N_EDGES), 0, N_NODES, dtype=jnp.int64)
    # learned parameters: conv kernel/bias (in=128 -> out=8), dense kernel/bias (8 -> 1)
    W = jax.random.normal(k3, (D_FEAT, D_HIDDEN), dtype=jnp.float32) * (1.0 / np.sqrt(D_FEAT))
    b = jnp.zeros((D_HIDDEN,), dtype=jnp.float32)
    Wd = jax.random.normal(k4, (D_HIDDEN, 1), dtype=jnp.float32) * (1.0 / np.sqrt(D_HIDDEN))
    bd = jnp.zeros((1,), dtype=jnp.float32)
    return {"x": x, "edge_index": edge_index, "W": W, "b": b, "Wd": Wd, "bd": bd}


def reference(x, edge_index, W, b, Wd, bd):
    # Graph conv layer (message passing: gather along src, scatter-add to dst),
    # equivalent to a * x @ W with sparse adjacency in single mode.
    src = edge_index[0]
    dst = edge_index[1]
    msgs = jnp.take(x, src, axis=0)                      # gather [E, D_FEAT]
    agg = jax.ops.segment_sum(msgs, dst, num_segments=N_NODES)  # scatter-add [N, D_FEAT]
    h = jax.nn.relu(agg @ W + b)                          # hidden activation, [N, 8]
    # GlobalSumPool over the node axis (single mode -> [1, 8])
    pooled = jnp.sum(h, axis=0, keepdims=True)
    # Dense(1), linear output activation
    out = pooled @ Wd + bd                                # [1, 1]
    return out

if __name__ == "__main__":
    import jax
    _d = setup_inputs()
    print(jax.jit(kernel)(*tuple(_d.values())))

</pallas_src>

<mosaic_0001>
#map = affine_map<(d0, d1) -> (0, 0)>
#map1 = affine_map<(d0, d1) -> (0, 0, 0)>
module attributes {stable_mosaic.version = 14 : i64} {
  func.func @_sc_body(%arg0: i32, %arg1: i32, %arg2: memref<10000x8xf32, #tpu.memory_space<hbm>>, %arg3: memref<2x320000xi32, #tpu.memory_space<hbm>>, %arg4: memref<632x8xf32, #tpu.memory_space<hbm>>, %arg5: memref<2x10112x8xf32, #tpu.memory_space<hbm>>, %arg6: memref<10000xi32, #tpu.memory_space<vmem>>, %arg7: memref<10000xi32, #tpu.memory_space<vmem>>, %arg8: memref<10000x8xf32, #tpu.memory_space<vmem>>, %arg9: memref<632x8xf32, #tpu.memory_space<vmem>>, %arg10: memref<10112x8xf32, #tpu.memory_space<vmem_shared>>, %arg11: memref<!tpu.dma_semaphore, #tpu.memory_space<semaphore_mem>>) attributes {dimension_semantics = [#tpu.dimension_semantics<core_parallel>, #tpu.dimension_semantics<subcore_parallel>], iteration_bounds = array<i64: 2, 16>, scalar_prefetch = 0 : i64, scratch_operands = 6 : i64, tpu.core_type = #tpu.core_type<sc_vector_subcore>, window_params = [{transform_indices = #map}, {transform_indices = #map}, {transform_indices = #map}, {transform_indices = #map1}]} {
    %mul3A = arith.constant 16 : i32
    %mul3A_0 = arith.muli %arg0, %mul3A : i32
    %add3A = arith.addi %mul3A_0, %arg1 : i32
    "tpu.region"() ({
      %run_scoped3A_15 = tpu.sem_alloc : memref<!tpu.dma_semaphore, #tpu.memory_space<semaphore_mem>>
      tpu.enqueue_dma source(%arg4 : memref<632x8xf32, #tpu.memory_space<hbm>>) target(%arg9 : memref<632x8xf32, #tpu.memory_space<vmem>>) target_semaphore(%run_scoped3A_15 : memref<!tpu.dma_semaphore, #tpu.memory_space<semaphore_mem>>)
      tpu.wait_dma2 semaphore(%run_scoped3A_15 : memref<!tpu.dma_semaphore, #tpu.memory_space<semaphore_mem>>) src(%arg4 : memref<632x8xf32, #tpu.memory_space<hbm>>) dst(%arg9 : memref<632x8xf32, #tpu.memory_space<vmem>>)
      tpu.yield
    }) : () -> ()
    %mul3A_1 = arith.constant 632 : i32
    %mul3A_2 = arith.muli %arg1, %mul3A_1 : i32
    "tpu.region"() ({
      %run_scoped3A_15 = tpu.sem_alloc : memref<!tpu.dma_semaphore, #tpu.memory_space<semaphore_mem>>
      %dma_start3A_16 = arith.constant 0 : i32
      %dma_start3A_17 = tpu.memref_slice %arg10[%mul3A_2, %dma_start3A_16] : memref<10112x8xf32, #tpu.memory_space<vmem_shared>> -> memref<632x8xf32, #tpu.memory_space<vmem_shared>>
      %dma_start3A_18 = arith.constant 0 : i32
      %dma_start3A_19 = tpu.memref_slice %arg10[%mul3A_2, %dma_start3A_18] : memref<10112x8xf32, #tpu.memory_space<vmem_shared>> -> memref<632x8xf32, #tpu.memory_space<vmem_shared>>
      tpu.enqueue_dma source(%arg9 : memref<632x8xf32, #tpu.memory_space<vmem>>) target(%dma_start3A_19 : memref<632x8xf32, #tpu.memory_space<vmem_shared>>) target_semaphore(%run_scoped3A_15 : memref<!tpu.dma_semaphore, #tpu.memory_space<semaphore_mem>>)
      %dma_wait3A_20 = arith.constant 0 : i32
      %dma_wait3A_21 = tpu.memref_slice %arg10[%mul3A_2, %dma_wait3A_20] : memref<10112x8xf32, #tpu.memory_space<vmem_shared>> -> memref<632x8xf32, #tpu.memory_space<vmem_shared>>
      %dma_wait3A_22 = arith.constant 0 : i32
      %dma_wait3A_23 = tpu.memref_slice %arg10[%mul3A_2, %dma_wait3A_22] : memref<10112x8xf32, #tpu.memory_space<vmem_shared>> -> memref<632x8xf32, #tpu.memory_space<vmem_shared>>
      tpu.wait_dma2 semaphore(%run_scoped3A_15 : memref<!tpu.dma_semaphore, #tpu.memory_space<semaphore_mem>>) src(%arg9 : memref<632x8xf32, #tpu.memory_space<vmem>>) dst(%dma_wait3A_23 : memref<632x8xf32, #tpu.memory_space<vmem_shared>>)
      tpu.yield
    }) : () -> ()
    %mul3A_3 = arith.constant 10000 : i32
    %mul3A_4 = arith.muli %add3A, %mul3A_3 : i32
    %run_scoped3A = arith.constant 0 : i32
    "tpu.region"() ({
      %run_scoped3A_15 = tpu.sem_alloc : memref<!tpu.dma_semaphore, #tpu.memory_space<semaphore_mem>>
      %dma_start3A_16 = tpu.memref_slice %arg3[%run_scoped3A, %mul3A_4] : memref<2x320000xi32, #tpu.memory_space<hbm>> -> memref<1x10000xi32, #tpu.memory_space<hbm>>
      %dma_start3A_17 = tpu.memref_squeeze %dma_start3A_16 : memref<1x10000xi32, #tpu.memory_space<hbm>> -> memref<10000xi32, #tpu.memory_space<hbm>>
      %dma_start3A_18 = tpu.memref_slice %arg3[%run_scoped3A, %mul3A_4] : memref<2x320000xi32, #tpu.memory_space<hbm>> -> memref<1x10000xi32, #tpu.memory_space<hbm>>
      %dma_start3A_19 = tpu.memref_squeeze %dma_start3A_18 : memref<1x10000xi32, #tpu.memory_space<hbm>> -> memref<10000xi32, #tpu.memory_space<hbm>>
      tpu.enqueue_dma source(%dma_start3A_19 : memref<10000xi32, #tpu.memory_space<hbm>>) target(%arg6 : memref<10000xi32, #tpu.memory_space<vmem>>) target_semaphore(%run_scoped3A_15 : memref<!tpu.dma_semaphore, #tpu.memory_space<semaphore_mem>>)
      %dma_wait3A_20 = tpu.memref_slice %arg3[%run_scoped3A, %mul3A_4] : memref<2x320000xi32, #tpu.memory_space<hbm>> -> memref<1x10000xi32, #tpu.memory_space<hbm>>
      %dma_wait3A_21 = tpu.memref_squeeze %dma_wait3A_20 : memref<1x10000xi32, #tpu.memory_space<hbm>> -> memref<10000xi32, #tpu.memory_space<hbm>>
      %dma_wait3A_22 = tpu.memref_slice %arg3[%run_scoped3A, %mul3A_4] : memref<2x320000xi32, #tpu.memory_space<hbm>> -> memref<1x10000xi32, #tpu.memory_space<hbm>>
      %dma_wait3A_23 = tpu.memref_squeeze %dma_wait3A_22 : memref<1x10000xi32, #tpu.memory_space<hbm>> -> memref<10000xi32, #tpu.memory_space<hbm>>
      tpu.wait_dma2 semaphore(%run_scoped3A_15 : memref<!tpu.dma_semaphore, #tpu.memory_space<semaphore_mem>>) src(%dma_wait3A_23 : memref<10000xi32, #tpu.memory_space<hbm>>) dst(%arg6 : memref<10000xi32, #tpu.memory_space<vmem>>)
      tpu.yield
    }) : () -> ()
    %run_scoped3A_5 = arith.constant 1 : i32
    "tpu.region"() ({
      %run_scoped3A_15 = tpu.sem_alloc : memref<!tpu.dma_semaphore, #tpu.memory_space<semaphore_mem>>
      %dma_start3A_16 = tpu.memref_slice %arg3[%run_scoped3A_5, %mul3A_4] : memref<2x320000xi32, #tpu.memory_space<hbm>> -> memref<1x10000xi32, #tpu.memory_space<hbm>>
      %dma_start3A_17 = tpu.memref_squeeze %dma_start3A_16 : memref<1x10000xi32, #tpu.memory_space<hbm>> -> memref<10000xi32, #tpu.memory_space<hbm>>
      %dma_start3A_18 = tpu.memref_slice %arg3[%run_scoped3A_5, %mul3A_4] : memref<2x320000xi32, #tpu.memory_space<hbm>> -> memref<1x10000xi32, #tpu.memory_space<hbm>>
      %dma_start3A_19 = tpu.memref_squeeze %dma_start3A_18 : memref<1x10000xi32, #tpu.memory_space<hbm>> -> memref<10000xi32, #tpu.memory_space<hbm>>
      tpu.enqueue_dma source(%dma_start3A_19 : memref<10000xi32, #tpu.memory_space<hbm>>) target(%arg7 : memref<10000xi32, #tpu.memory_space<vmem>>) target_semaphore(%run_scoped3A_15 : memref<!tpu.dma_semaphore, #tpu.memory_space<semaphore_mem>>)
      %dma_wait3A_20 = tpu.memref_slice %arg3[%run_scoped3A_5, %mul3A_4] : memref<2x320000xi32, #tpu.memory_space<hbm>> -> memref<1x10000xi32, #tpu.memory_space<hbm>>
      %dma_wait3A_21 = tpu.memref_squeeze %dma_wait3A_20 : memref<1x10000xi32, #tpu.memory_space<hbm>> -> memref<10000xi32, #tpu.memory_space<hbm>>
      %dma_wait3A_22 = tpu.memref_slice %arg3[%run_scoped3A_5, %mul3A_4] : memref<2x320000xi32, #tpu.memory_space<hbm>> -> memref<1x10000xi32, #tpu.memory_space<hbm>>
      %dma_wait3A_23 = tpu.memref_squeeze %dma_wait3A_22 : memref<1x10000xi32, #tpu.memory_space<hbm>> -> memref<10000xi32, #tpu.memory_space<hbm>>
      tpu.wait_dma2 semaphore(%run_scoped3A_15 : memref<!tpu.dma_semaphore, #tpu.memory_space<semaphore_mem>>) src(%dma_wait3A_23 : memref<10000xi32, #tpu.memory_space<hbm>>) dst(%arg7 : memref<10000xi32, #tpu.memory_space<vmem>>)
      tpu.yield
    }) : () -> ()
    %barrier3A = arith.constant 0 : index
    tpu.barrier barrier_id(%barrier3A)
    %dma_start3A = arith.constant 0 : i32
    %dma_start3A_6 = arith.constant 0 : i32
    %dma_start3A_7 = tpu.memref_slice %arg2[%dma_start3A, %dma_start3A_6] : memref<10000x8xf32, #tpu.memory_space<hbm>> -> memref<10000x8xf32, #tpu.memory_space<hbm>>
    tpu.enqueue_indirect_dma source(%dma_start3A_7 : memref<10000x8xf32, #tpu.memory_space<hbm>>) target(%arg8 : memref<10000x8xf32, #tpu.memory_space<vmem>>) offsets(%arg6 : memref<10000xi32, #tpu.memory_space<vmem>>) semaphore(%arg11 : memref<!tpu.dma_semaphore, #tpu.memory_space<semaphore_mem>>)
    %dma_wait3A = arith.constant 0 : i32
    %dma_wait3A_8 = arith.constant 0 : i32
    %dma_wait3A_9 = tpu.memref_slice %arg2[%dma_wait3A, %dma_wait3A_8] : memref<10000x8xf32, #tpu.memory_space<hbm>> -> memref<10000x8xf32, #tpu.memory_space<hbm>>
    tpu.wait_indirect_dma semaphore(%arg11 : memref<!tpu.dma_semaphore, #tpu.memory_space<semaphore_mem>>) src(%dma_wait3A_9 : memref<10000x8xf32, #tpu.memory_space<hbm>>) dst(%arg8 : memref<10000x8xf32, #tpu.memory_space<vmem>>)
    "tpu.region"() ({
      %run_scoped3A_15 = tpu.sem_alloc : memref<!tpu.dma_semaphore, #tpu.memory_space<semaphore_mem>>
      %dma_start3A_16 = arith.constant 0 : i32
      %dma_start3A_17 = arith.constant 0 : i32
      %dma_start3A_18 = tpu.memref_slice %arg10[%dma_start3A_16, %dma_start3A_17] : memref<10112x8xf32, #tpu.memory_space<vmem_shared>> -> memref<10112x8xf32, #tpu.memory_space<vmem_shared>>
      tpu.enqueue_indirect_dma source(%arg8 : memref<10000x8xf32, #tpu.memory_space<vmem>>) target(%dma_start3A_18 : memref<10112x8xf32, #tpu.memory_space<vmem_shared>>) offsets(%arg7 : memref<10000xi32, #tpu.memory_space<vmem>>) semaphore(%run_scoped3A_15 : memref<!tpu.dma_semaphore, #tpu.memory_space<semaphore_mem>>) {add = true}
      %dma_wait3A_19 = arith.constant 0 : i32
      %dma_wait3A_20 = arith.constant 0 : i32
      %dma_wait3A_21 = tpu.memref_slice %arg10[%dma_wait3A_19, %dma_wait3A_20] : memref<10112x8xf32, #tpu.memory_space<vmem_shared>> -> memref<10112x8xf32, #tpu.memory_space<vmem_shared>>
      tpu.wait_indirect_dma semaphore(%run_scoped3A_15 : memref<!tpu.dma_semaphore, #tpu.memory_space<semaphore_mem>>) src(%arg8 : memref<10000x8xf32, #tpu.memory_space<vmem>>) dst(%dma_wait3A_21 : memref<10112x8xf32, #tpu.memory_space<vmem_shared>>)
      tpu.yield
    }) : () -> ()
    %barrier3A_10 = arith.constant 0 : index
    tpu.barrier barrier_id(%barrier3A_10)
    %mul3A_11 = arith.constant 632 : i32
    %mul3A_12 = arith.muli %arg1, %mul3A_11 : i32
    "tpu.region"() ({
      %run_scoped3A_15 = tpu.sem_alloc : memref<!tpu.dma_semaphore, #tpu.memory_space<semaphore_mem>>
      %dma_start3A_16 = arith.constant 0 : i32
      %dma_start3A_17 = tpu.memref_slice %arg10[%mul3A_12, %dma_start3A_16] : memref<10112x8xf32, #tpu.memory_space<vmem_shared>> -> memref<632x8xf32, #tpu.memory_space<vmem_shared>>
      %dma_start3A_18 = arith.constant 0 : i32
      %dma_start3A_19 = tpu.memref_slice %arg10[%mul3A_12, %dma_start3A_18] : memref<10112x8xf32, #tpu.memory_space<vmem_shared>> -> memref<632x8xf32, #tpu.memory_space<vmem_shared>>
      tpu.enqueue_dma source(%dma_start3A_19 : memref<632x8xf32, #tpu.memory_space<vmem_shared>>) target(%arg9 : memref<632x8xf32, #tpu.memory_space<vmem>>) target_semaphore(%run_scoped3A_15 : memref<!tpu.dma_semaphore, #tpu.memory_space<semaphore_mem>>)
      %dma_wait3A_20 = arith.constant 0 : i32
      %dma_wait3A_21 = tpu.memref_slice %arg10[%mul3A_12, %dma_wait3A_20] : memref<10112x8xf32, #tpu.memory_space<vmem_shared>> -> memref<632x8xf32, #tpu.memory_space<vmem_shared>>
      %dma_wait3A_22 = arith.constant 0 : i32
      %dma_wait3A_23 = tpu.memref_slice %arg10[%mul3A_12, %dma_wait3A_22] : memref<10112x8xf32, #tpu.memory_space<vmem_shared>> -> memref<632x8xf32, #tpu.memory_space<vmem_shared>>
      tpu.wait_dma2 semaphore(%run_scoped3A_15 : memref<!tpu.dma_semaphore, #tpu.memory_space<semaphore_mem>>) src(%dma_wait3A_23 : memref<632x8xf32, #tpu.memory_space<vmem_shared>>) dst(%arg9 : memref<632x8xf32, #tpu.memory_space<vmem>>)
      tpu.yield
    }) : () -> ()
    %mul3A_13 = arith.constant 632 : i32
    %mul3A_14 = arith.muli %arg1, %mul3A_13 : i32
    "tpu.region"() ({
      %run_scoped3A_15 = tpu.sem_alloc : memref<!tpu.dma_semaphore, #tpu.memory_space<semaphore_mem>>
      %dma_start3A_16 = arith.constant 0 : i32
      %dma_start3A_17 = tpu.memref_slice %arg5[%arg0, %mul3A_14, %dma_start3A_16] : memref<2x10112x8xf32, #tpu.memory_space<hbm>> -> memref<1x632x8xf32, #tpu.memory_space<hbm>>
      %dma_start3A_18 = tpu.memref_squeeze %dma_start3A_17 : memref<1x632x8xf32, #tpu.memory_space<hbm>> -> memref<632x8xf32, #tpu.memory_space<hbm>>
      %dma_start3A_19 = arith.constant 0 : i32
      %dma_start3A_20 = tpu.memref_slice %arg5[%arg0, %mul3A_14, %dma_start3A_19] : memref<2x10112x8xf32, #tpu.memory_space<hbm>> -> memref<1x632x8xf32, #tpu.memory_space<hbm>>
      %dma_start3A_21 = tpu.memref_squeeze %dma_start3A_20 : memref<1x632x8xf32, #tpu.memory_space<hbm>> -> memref<632x8xf32, #tpu.memory_space<hbm>>
      tpu.enqueue_dma source(%arg9 : memref<632x8xf32, #tpu.memory_space<vmem>>) target(%dma_start3A_21 : memref<632x8xf32, #tpu.memory_space<hbm>>) target_semaphore(%run_scoped3A_15 : memref<!tpu.dma_semaphore, #tpu.memory_space<semaphore_mem>>)
      %dma_wait3A_22 = arith.constant 0 : i32
      %dma_wait3A_23 = tpu.memref_slice %arg5[%arg0, %mul3A_14, %dma_wait3A_22] : memref<2x10112x8xf32, #tpu.memory_space<hbm>> -> memref<1x632x8xf32, #tpu.memory_space<hbm>>
      %dma_wait3A_24 = tpu.memref_squeeze %dma_wait3A_23 : memref<1x632x8xf32, #tpu.memory_space<hbm>> -> memref<632x8xf32, #tpu.memory_space<hbm>>
      %dma_wait3A_25 = arith.constant 0 : i32
      %dma_wait3A_26 = tpu.memref_slice %arg5[%arg0, %mul3A_14, %dma_wait3A_25] : memref<2x10112x8xf32, #tpu.memory_space<hbm>> -> memref<1x632x8xf32, #tpu.memory_space<hbm>>
      %dma_wait3A_27 = tpu.memref_squeeze %dma_wait3A_26 : memref<1x632x8xf32, #tpu.memory_space<hbm>> -> memref<632x8xf32, #tpu.memory_space<hbm>>
      tpu.wait_dma2 semaphore(%run_scoped3A_15 : memref<!tpu.dma_semaphore, #tpu.memory_space<semaphore_mem>>) src(%arg9 : memref<632x8xf32, #tpu.memory_space<vmem>>) dst(%dma_wait3A_27 : memref<632x8xf32, #tpu.memory_space<hbm>>)
      tpu.yield
    }) : () -> ()
    return
  }
}

module attributes {stable_mosaic.version = 14 : i64} {
  func.func @_mm_body(%arg0: memref<10000x128xf32, #tpu.memory_space<vmem>>, %arg1: memref<128x8xf32, #tpu.memory_space<vmem>>, %arg2: memref<10000x8xf32, #tpu.memory_space<vmem>>) attributes {dimension_semantics = [], scalar_prefetch = 0 : i64, scratch_operands = 0 : i64, tpu.core_type = #tpu.core_type<tc>} {
    %get3A = arith.constant 0 : index
    %get3A_0 = arith.constant 0 : index
    %get3A_1 = vector.load %arg0[%get3A, %get3A_0] : memref<10000x128xf32, #tpu.memory_space<vmem>>, vector<10000x128xf32>
    %get3A_2 = arith.constant 0 : index
    %get3A_3 = arith.constant 0 : index
    %get3A_4 = vector.load %arg1[%get3A_2, %get3A_3] : memref<128x8xf32, #tpu.memory_space<vmem>>, vector<128x8xf32>
    %dot_general3A = arith.constant dense<0.000000e+00> : vector<10000x8xf32>
    %dot_general3A_5 = tpu.matmul %get3A_1, %get3A_4, %dot_general3A {dimension_numbers = #tpu.dot_dimension_numbers<[1], [0], [0], [1], [0, 0, 1, 1], [], []>, transpose_lhs_hint = false} : vector<10000x128xf32>, vector<128x8xf32>, vector<10000x8xf32> -> vector<10000x8xf32>
    %swap3A = arith.constant 0 : index
    %swap3A_6 = arith.constant 0 : index
    %swap3A_7 = vector.load %arg2[%swap3A, %swap3A_6] : memref<10000x8xf32, #tpu.memory_space<vmem>>, vector<10000x8xf32>
    tpu.vector_store %arg2[%swap3A, %swap3A_6], %dot_general3A_5 {strides = array<i32>} : memref<10000x8xf32, #tpu.memory_space<vmem>>, vector<10000x8xf32>,
    return
  }
}

module attributes {stable_mosaic.version = 14 : i64} {
  func.func @_fin_body(%arg0: memref<1264x128xf32, #tpu.memory_space<vmem>>, %arg1: memref<1x128xf32, #tpu.memory_space<vmem>>, %arg2: memref<1x128xf32, #tpu.memory_space<vmem>>, %arg3: memref<1x1xf32, #tpu.memory_space<vmem>>, %arg4: memref<1x1xf32, #tpu.memory_space<vmem>>) attributes {dimension_semantics = [], scalar_prefetch = 0 : i64, scratch_operands = 0 : i64, tpu.core_type = #tpu.core_type<tc>} {
    %get3A = arith.constant 0 : index
    %get3A_0 = arith.constant 0 : index
    %get3A_1 = vector.load %arg0[%get3A, %get3A_0] : memref<1264x128xf32, #tpu.memory_space<vmem>>, vector<632x128xf32>
    %get3A_2 = arith.constant 632 : index
    %get3A_3 = arith.constant 0 : index
    %get3A_4 = vector.load %arg0[%get3A_2, %get3A_3] : memref<1264x128xf32, #tpu.memory_space<vmem>>, vector<632x128xf32>
    %add3A = arith.addf %get3A_1, %get3A_4 : vector<632x128xf32>
    %get3A_5 = arith.constant 0 : index
    %get3A_6 = arith.constant 0 : index
    %get3A_7 = vector.load %arg1[%get3A_5, %get3A_6] : memref<1x128xf32, #tpu.memory_space<vmem>>, vector<1x128xf32>
    %add3A_8 = vector.broadcast %get3A_7 : vector<1x128xf32> to vector<632x128xf32>
    %add3A_9 = arith.addf %add3A, %add3A_8 : vector<632x128xf32>
    %max3A = arith.constant 0.000000e+00 : f32
    %max3A_10 = vector.broadcast %max3A : f32 to vector<632x128xf32>
    %max3A_11 = arith.maximumf %add3A_9, %max3A_10 : vector<632x128xf32>
    %iota3A = tpu.iota {dimensions = array<i32: 0>} : vector<632x128xi32>
    %lt3A = arith.constant 625 : i32
    %lt3A_12 = vector.broadcast %lt3A : i32 to vector<632x128xi32>
    %lt3A_13 = arith.cmpi slt, %iota3A, %lt3A_12 : vector<632x128xi32>
    %jit3A = arith.constant 0.000000e+00 : f32
    %broadcast_in_dim3A = vector.broadcast %jit3A : f32 to vector<632x128xf32>
    %select_n3A = arith.select %lt3A_13, %max3A_11, %broadcast_in_dim3A : vector<632x128xi1>, vector<632x128xf32>
    %reduce_sum3A = arith.constant dense<0.000000e+00> : vector<128xf32>
    %reduce_sum3A_14 = vector.multi_reduction <add>, %select_n3A, %reduce_sum3A [0] : vector<632x128xf32> to vector<128xf32>
    %broadcast_in_dim3A_15 = vector.shape_cast %reduce_sum3A_14 : vector<128xf32> to vector<1x128xf32>
    %get3A_16 = arith.constant 0 : index
    %get3A_17 = arith.constant 0 : index
    %get3A_18 = vector.load %arg2[%get3A_16, %get3A_17] : memref<1x128xf32, #tpu.memory_space<vmem>>, vector<1x128xf32>
    %mul3A = arith.mulf %broadcast_in_dim3A_15, %get3A_18 : vector<1x128xf32>
    %reduce_sum3A_19 = arith.constant dense<0.000000e+00> : vector<1xf32>
    %reduce_sum3A_20 = vector.multi_reduction <add>, %mul3A, %reduce_sum3A_19 [1] : vector<1x128xf32> to vector<1xf32>
    %broadcast_in_dim3A_21 = vector.shape_cast %reduce_sum3A_20 : vector<1xf32> to vector<1x1xf32>
    %get3A_22 = arith.constant 0 : index
    %get3A_23 = arith.constant 0 : index
    %get3A_24 = vector.load %arg3[%get3A_22, %get3A_23] : memref<1x1xf32, #tpu.memory_space<vmem>>, vector<1x1xf32>
    %add3A_25 = arith.addf %broadcast_in_dim3A_21, %get3A_24 : vector<1x1xf32>
    %swap3A = arith.constant 0 : index
    %swap3A_26 = arith.constant 0 : index
    %swap3A_27 = vector.load %arg4[%swap3A, %swap3A_26] : memref<1x1xf32, #tpu.memory_space<vmem>>, vector<1x1xf32>
    tpu.vector_store %arg4[%swap3A, %swap3A_26], %add3A_25 {strides = array<i32>} : memref<1x1xf32, #tpu.memory_space<vmem>>, vector<1x1xf32>,
    return
  }
}

</mosaic_0001>

<sc_bundles>
// kernel: kernel.5.cloned.1.call-start
scs
__scs_entry_jumppad:
0x0: {  	(pc) =	sbr.rel $0x88, $3  }
0x1: {  	(tag) =	ssettag $0x0;
	lr =	simm.s32 $0x1  }
0x2: {  	[smem:$0x3F9B] =	sst lr;
	_ =	strace $0xD0000000  }
0x3: {  	_ = 	snop  }
0x4: {  	_ = 	snop  }
0x5: {  	_ = 	snop  }
0x6: {  	_ = 	snop  }
0x7: {  	_ = 	snop  }
__scs_overlays_trampoline_lowered:
0x8: {  	[smem:$0x3FAA] =	sst s0  }
0x9: {  	[smem:$0x3FAB] =	sst s1  }
0xa: {  	[smem:$0x3FAC] =	sst s2  }
0xb: {  	[smem:$0x3FAD] =	sst s3  }
0xc: {  	[smem:$0x3FAE] =	sst s4  }
0xd: {  	[smem:$0x3FAF] =	sst s5  }
0xe: {  	[smem:$0x3FB0] =	sst s6  }
0xf: {  	[smem:$0x3FB1] =	sst s7  }
0x10: {  	[smem:$0x3FB2] =	sst s8  }
0x11: {  	[smem:$0x3FB3] =	sst s9;
	s0 =	simm.s32 @!p0 $0x0  }
0x12: {  	s1 =	sld [smem:$0x3F99];
	s0 =	simm.s32 @p0 $0x1  }
0x13: {  	[smem:$0x3FB4] =	sst s0;
	s0 =	simm.s32 @!p1 $0x0  }
0x14: {  	s2 =	sld [smem:$0x3F98];
	s0 =	simm.s32 @p1 $0x1  }
0x15: {  	[smem:$0x3FB5] =	sst s0;
	s0 =	simm.s32 @!p2 $0x0  }
0x16: {  	s3 =	sld [smem:$0x3FDB];
	s0 =	simm.s32 @p2 $0x1  }
0x17: {  	s4 =	simm.s32 $0x1BF5;
	[smem:$0x3FB7] =	sst s0  }
0x18: {  	s0 =	sld [smem:$0x3F9A];
	_ =	swait.ge [sflag:s4], $0x0  }
0x19: {  	s7 =	sld [smem:$0x3F9B]  }
0x1a: {  	s8 =	sadd.s32 $0xFFFFE003, lr  }
0x1b: {  	s9 =	sadd.s32 $0xFFFFFEF7, lr;
	s5 =	simm.s32 $0xFFFFFFFF;
	p2 =	slt.u32 s8, $0xFFFFF086  }
0x1c: {  	p1 =	slt.u32 s9, $0xF7A;
	s5 =	simm.s32 @!p2 $0x0  }
0x1d: {  	s5 =	simm.s32 @p1 $0x1;
	p0 =	seq.s32 s7, s2  }
0x1e: {  	s7 =	smul.u32 @!p0 $0xF7A, s2;
	p2 =	seq.s32 @!p0 s5, $0x0  }
0x1f: {  	s9 =	smul.u32 $0xF7A, s1;
	s8 =	simm.s32 @!p0 $0x1BF5;
	p2 =	por !p2, p0  }
0x20: {  	[sflag:s8] =	ssyncset.s32 @!p0 $0xFFFFF086;
	s6 =	sadd.s32 @!p0 s3, s7;
	s7 =	simm.s32 @!p0 $0x108  }
0x21: {  	s3 =	sadd.s32 s3, s9;
	s6 =	sadd.s32 @!p0 $0x88, s6;
	s7 =	simm.s32 @p2 $0x1082  }
0x22: {  	[simem:s7], [sflag:s8] =	dma.local @!p0 [hbm:s6], $0xF7A  }
0x23: {  	s9 =	sor.u32 $0xD0000000, s2;
	s6 =	simm.s32 $0x108;
	_ =	swait.ge @!p0 [sflag:s8], $0x0  }
0x24: {  	s3 =	sadd.s32 $0x88, s3;
	s6 =	simm.s32 @!p1 $0x1082;
	[sflag:s4] =	ssyncset.s32 $0xFFFFF086  }
0x25: {  	[simem:s6], [sflag:s4] =	dma.local [hbm:s3], $0xF7A  }
0x26: {  	[smem:$0x3F9B] =	sst s1;
	(tag) =	ssettag s2;
	_ =	strace s9  }
0x27: {  	s1 =	sld [smem:$0x3FAB]  }
0x28: {  	s2 =	sld [smem:$0x3FAC]  }
0x29: {  	s4 =	sld [smem:$0x3FAE]  }
0x2a: {  	p0 =	seq.s32 s5, $0x0;
	s5 =	sld [smem:$0x3FAF]  }
0x2b: {  	s6 =	sld [smem:$0x3FB0]  }
0x2c: {  	s7 =	sld [smem:$0x3FB1]  }
0x2d: {  	s3 =	simm.s32 $0x108;
	s8 =	sld [smem:$0x3FB2]  }
0x2e: {  	s3 =	simm.s32 @!p0 $0x1082;
	s9 =	sld [smem:$0x3FB3]  }
0x2f: {  	lr =	sadd.s32 s0, s3;
	s0 =	sld [smem:$0x3FAA]  }
0x30: {  	s3 =	sld [smem:$0x3FAD]  }
0x31: {  	[smem:$0x3FB6] =	sst s10  }
0x32: {  	s10 =	sld [smem:$0x3FB4];
	_ =	sdelay $0x3  }
0x33: {  	p0 =	seq.s32 s10, $0x1;
	s10 =	sld [smem:$0x3FB6];
	_ =	sdelay $0x3  }
0x34: {  	[smem:$0x3FB6] =	sst s10  }
0x35: {  	s10 =	sld [smem:$0x3FB5];
	_ =	sdelay $0x3  }
0x36: {  	p1 =	seq.s32 s10, $0x1;
	s10 =	sld [smem:$0x3FB6];
	_ =	sdelay $0x3  }
0x37: {  	[smem:$0x3FB6] =	sst s10  }
0x38: {  	s10 =	sld [smem:$0x3FB7]  }
0x39: {  	_ = 	snop;
	(pc) =	sbr.ind lr, $3  }
0x3a: {  	_ = 	snop  }
0x3b: {  	_ = 	snop  }
0x3c: {  	p2 =	seq.s32 s10, $0x1;
	s10 =	sld [smem:$0x3FB6]  }
0x3d: {  	_ =	shalt  }
0x3e: {  	_ =	shalt  }
0x3f: {  	_ =	shalt  }
0x40: {  	_ =	shalt  }
0x41: {  	_ =	shalt  }
0x42: {  	_ =	shalt  }
0x43: {  	_ =	shalt  }
0x44: {  	_ =	shalt  }
0x45: {  	_ =	shalt  }
0x46: {  	_ =	shalt  }
0x47: {  	_ =	shalt  }
0x48: {  	_ =	shalt  }
0x49: {  	_ =	shalt  }
0x4a: {  	_ =	shalt  }
0x4b: {  	_ =	shalt  }
0x4c: {  	_ =	shalt  }
0x4d: {  	_ =	shalt  }
0x4e: {  	_ =	shalt  }
0x4f: {  	_ =	shalt  }
0x50: {  	_ =	shalt  }
0x51: {  	_ =	shalt  }
0x52: {  	_ =	shalt  }
0x53: {  	_ =	shalt  }
0x54: {  	_ =	shalt  }
0x55: {  	_ =	shalt  }
0x56: {  	_ =	shalt  }
0x57: {  	_ =	shalt  }
0x58: {  	_ =	shalt  }
0x59: {  	_ =	shalt  }
0x5a: {  	_ =	shalt  }
0x5b: {  	_ =	shalt  }
0x5c: {  	_ =	shalt  }
0x5d: {  	_ =	shalt  }
0x5e: {  	_ =	shalt  }
0x5f: {  	_ =	shalt  }
0x60: {  	_ =	shalt  }
0x61: {  	_ =	shalt  }
0x62: {  	_ =	shalt  }
0x63: {  	_ =	shalt  }
0x64: {  	_ =	shalt  }
0x65: {  	_ =	shalt  }
0x66: {  	_ =	shalt  }
0x67: {  	_ =	shalt  }
0x68: {  	_ =	shalt  }
0x69: {  	_ =	shalt  }
0x6a: {  	_ =	shalt  }
0x6b: {  	_ =	shalt  }
0x6c: {  	_ =	shalt  }
0x6d: {  	_ =	shalt  }
0x6e: {  	_ =	shalt  }
0x6f: {  	_ =	shalt  }
0x70: {  	_ =	shalt  }
0x71: {  	_ =	shalt  }
0x72: {  	_ =	shalt  }
0x73: {  	_ =	shalt  }
0x74: {  	_ =	shalt  }
0x75: {  	_ =	shalt  }
0x76: {  	_ =	shalt  }
0x77: {  	_ =	shalt  }
0x78: {  	_ =	shalt  }
0x79: {  	_ =	shalt  }
0x7a: {  	_ =	shalt  }
0x7b: {  	_ =	shalt  }
0x7c: {  	_ =	shalt  }
0x7d: {  	_ =	shalt  }
0x7e: {  	_ =	shalt  }
0x7f: {  	_ =	shalt  }
0x80: {  	_ =	shalt  }
0x81: {  	_ =	shalt  }
0x82: {  	_ =	shalt  }
0x83: {  	_ =	shalt  }
0x84: {  	_ =	shalt  }
0x85: {  	_ =	shalt  }
0x86: {  	_ =	shalt  }
0x87: {  	_ =	shalt  }
.Lfunc_end0:
.L_simem_size_0:
called_computation_lowered:
.L_overlay_start_0:
0x88: {  	s2 =	sld [smem:$0x3FD9]  }
0x89: {  	s3 =	sld [smem:$0x3FFE];
	_ =	sdelay $0x1  }
0x8a: {  	s1 =	srdreg.scid  }
0x8b: {  	s0 =	sand.u32 $0x1, s1  }
0x8c: {  	s16 =	sshll.u32 s0, $0xA;
	s2 =	sadd.s32 s3, s2  }
0x8d: {  	s2 =	sadd.s32 s2, s16  }
0x8e: {  	[smem:$0x3FC2] =	sst s2  }
0x8f: {  	_ = 	snop  }
0x90: {  	(tm) =	ssettm $0x1  }
0x91: {  	s17 =	sld [smem:$0x3FFB];
	_ =	sdelay $0x3  }
0x92: {  	_ =	strace s17  }
0x93: {  	s2 =	sld [smem:$0x3FFC];
	_ =	sdelay $0x3  }
0x94: {  	_ =	strace s2  }
0x95: {  	s2 =	sld [smem:$0x3FFD];
	_ =	sdelay $0x3  }
0x96: {  	_ =	strace s2  }
0x97: {  	_ =	strace $0x8FFFFFFF  }
0x98: {  	s18 =	sld [smem:$0x3FDB];
	_ =	sdelay $0x1  }
0x99: {  	s19 =	simm.s32 $_scs_section_size  }
0x9a: {  	s4 =	simm.s32 $_size__tile_overlayer_lowered;
	s5 =	simm.s32 $_tile_overlayer_lowered  }
0x9b: {  	s22 =	simm.s32 $0x1BFF;
	s21 =	sshll.u32 s5, $0x1;
	s2 =	sadd.s32 s19, s18  }
0x9c: {  	s6 =	simm.s32 $0x0;
	s20 =	sshll.u32 s4, $0x1;
	s4 =	sadd.s32 s21, s2  }
0x9d: {  	[timem:s6], [sflag:s22] =	dma.local [hbm:s4], s20  }
0x9e: {  	_ =	swait.ge [sflag:s22], s20  }
0x9f: {  	s3 =	ssub.s32 $0x0, s20;
	[sflag:s22] =	ssyncset.done $0x0  }
0xa0: {  	[sflag:s22] =	ssyncadd.s32 s3;
	_ =	sdelay $0x1  }
0xa1: {  	s23 =	simm.s32 $0x1B8B  }
0xa2: {  	_ =	swait.ge [sflag:s23], $0x1  }
0xa3: {  	[sflag:s23] =	ssyncset.done $0x0  }
0xa4: {  	s25 =	simm.s32 $0x1B8E;
	s24 =	sld [smem:$0x3FFE];
	[sflag:s23] =	ssyncadd.s32 $0xFFFFFFFF  }
0xa5: {  	s26 =	simm.s32 $execute0_lowered;
	[smem:$0x3FD2] =	sst s25  }
0xa6: {  	s4 =	sshll.u32 s26, $0x1;
	_ =	strace $0x80000046;
	[dreg:$0x1] =	wrdreg $0xFFFFFFFF  }
0xa7: {  	s28 =	simm.s32 $_size_execute0_lowered;
	s2 =	sadd.s32 s2, s4;
	[dreg:$0x0] =	wrdreg $0x0  }
0xa8: {  	s4 =	sshll.u32 s28, $0x1;
	[dreg:$0x2] =	wrdreg s2  }
0xa9: {  	[dreg:$0x3] =	wrdreg s4  }
0xaa: {  	[dreg:$0x4] =	wrdreg $0xC0  }
0xab: {  	_ =	task [dreg:s6], $0x5FFFF  }
0xac: {  	[dreg:$0x1] =	wrdreg $0xFFFFFFFF  }
0xad: {  	[dreg:$0x0] =	wrdreg $0x60  }
0xae: {  	[dreg:$0x2] =	wrdreg s24  }
0xaf: {  	[dreg:$0x3] =	wrdreg $0x19A600  }
0xb0: {  	[dreg:$0x4] =	wrdreg $0x9  }
0xb1: {  	_ =	task.clear_ibuf [dreg:s6], $0x5FFFF;
	_ =	strace $0x90000046  }
0xb2: {  	s29 =	simm.s32 $0x9;
	_ =	strace $0x80000048  }
0xb3: {  	_ =	swait.ge [sflag:s29], $0x1  }
0xb4: {  	[sflag:s29] =	ssyncadd.s32 $0xFFFFFFFF  }
0xb5: {  	_ =	strace $0x90000048  }
0xb6: {  	_ =	sfence  }
0xb7: {  	s30 =	sld [smem:$0x0];
	_ =	sdelay $0x2  }
0xb8: {  	s31 =	sshll.u32 s1, $0xD;
	s1 =	sshrl.u32 s1, $0x2  }
0xb9: {  	s3 =	sand.u32 $0x4000, s31;
	s1 =	sadd.s32 s1, s30  }
0xba: {  	s0 =	sor.u32 s3, s0;
	s1 =	sshll.u32 s1, $0x11  }
0xbb: {  	s0 =	sor.u32 s1, s0  }
0xbc: {  	s0 =	sadd.s32 $0x8F2B, s0  }
0xbd: {  	[sflag:s0] =	ssyncadd.remote.s32 $0x1  }
0xbe: {  	_ =	sfence.sel $0xFFFF  }
0xbf: {  	[dreg:$0x0] =	wrdreg $0xFFFFFFFF;
	(pc) =	sbr.abs _section_cstart, $3  }
0xc0: {  	[dreg:$0x1] =	wrdreg $0xFFFFFFFF  }
0xc1: {  	_ =	task.clear_ibuf [dreg:s6], $0x2FFFF;
	_ =	strace $0x9FFFFFFF  }
0xc2: {  	(tm) =	ssettm $0x7FFFFFFF  }
0xc3: {  	_ =	shalt  }
tec
execute0_lowered:
.L_overlay_start_1:
0x0: {  	(tag) =	ssettag $0x1  }
0x1: {  	s14 =	rddreg [dreg:$0x0]  }
0x2: {  	s1 =	rddreg [dreg:$0x1]  }
0x3: {  	s0 =	rddreg [dreg:$0x2]  }
0x4: {  	s3 =	simm.s32 $0x0;
	s4 =	srdreg.scid;
	s2 =	stileid.u32  }
0x5: {  	s6 =	simm.s32 $0x186A0;
	s5 =	simm.s32 $0x2;
	[smem:$0x7FF] =	sst s3  }
0x6: {  	s15 =	sand.u32 $0x1, s4;
	s4 =	sadd.s32 $0x17000, s14;
	_ =	strace $0x80000047  }
0x7: {  	[tilespmem:s6], [sflag:$0x2] =	stream.linear.gather [hbm4b:s4+s3], $0x13C0, $0x38;
	[tilespmem:$0x1AE20] =	vst v63  }
0x8: {  	s16 =	smul.u32 $0x13C0, s2;
	s7 =	sshll.u32 s15, $0x4;
	_ =	swait.ge [sflag:s5], $0x13C0  }
0x9: {  	s7 =	sor.u32 s2, s7;
	[sflag:s5] =	ssyncset.done $0x0  }
0xa: {  	s8 =	smul.u32 $0x2710, s7;
	s7 =	sadd.s32 s16, s1;
	[sflag:s5] =	ssyncadd.s32 $0xFFFFEC40  }
0xb: {  	[spmem:s7] =	stream.linear.scatter [tilespmem:s6], [sflag:$0x2], $0x13C0, $0x38;
	[tilespmem:$0x1AE20] =	vst v63  }
0xc: {  	s8 =	sshrl.u32 s8, $0x3;
	_ =	swait.ge [sflag:s5], $0x13C0  }
0xd: {  	s9 =	sadd.s32 s8, s14;
	[sflag:s5] =	ssyncset.done $0x0  }
0xe: {  	s8 =	sadd.s32 $0x3600, s9;
	[sflag:s5] =	ssyncadd.s32 $0xFFFFEC40  }
0xf: {  	[tilespmem:s3], [sflag:$0x2] =	stream.linear.gather [hbm4b:s8+s3], $0x2710, $0x38;
	[tilespmem:$0x1AE20] =	vst v63  }
0x10: {  	_ =	swait.ge [sflag:s5], $0x2710  }
0x11: {  	[sflag:s5] =	ssyncset.done $0x0  }
0x12: {  	s10 =	simm.s32 $0x2710;
	s9 =	sadd.s32 $0xD240, s9;
	[sflag:s5] =	ssyncadd.s32 $0xFFFFD8F0  }
0x13: {  	[tilespmem:s10], [sflag:$0x2] =	stream.linear.gather [hbm4b:s9+s3], $0x2710, $0x38;
	[tilespmem:$0x1AE20] =	vst v63  }
0x14: {  	_ =	swait.ge [sflag:s5], $0x2710  }
0x15: {  	[sflag:s5] =	ssyncset.done $0x0  }
0x16: {  	s12 =	simm.s32 $0x4E20;
	[sflag:s5] =	ssyncadd.s32 $0xFFFFD8F0  }
0x17: {  	s13 =	simm.s32 $0x1;
	s11 =	sadd.s32 $0xE00, s14;
	[bflag:$0x0] =	sbarrier.arrive $0xFFFF  }
0x18: {  	[tilespmem:s12], [sflag:$0x1] =	stream.indirect.gather [hbm4b:s11+s10], $0x8, s3, s10, $0xb8;
	[tilespmem:$0x1AE20] =	vst v63  }
0x19: {  	_ =	swait.ge [sflag:s13], $0x13880  }
0x1a: {  	[sflag:s13] =	ssyncset.done $0x0  }
0x1b: {  	[sflag:s13] =	ssyncadd.s32 $0xFFFEC780  }
0x1c: {  	[spmem:s1] =	stream.indirect.scatter.add.f32 [tilespmem:s12], [sflag:$0x2], $0x8, s10, s10, $0xb8;
	[tilespmem:$0x1AE20] =	vst v63  }
0x1d: {  	s17 =	smul.u32 $0x13C00, s15;
	s15 =	ssub.s32 $0x2, s15;
	_ =	swait.ge [sflag:s5], $0x13880  }
0x1e: {  	s31 =	sshrl.u32 s15, $0x1;
	[sflag:s5] =	ssyncset.done $0x0  }
0x1f: {  	s15 =	ssub.s32 s15, s31;
	[sflag:s5] =	ssyncadd.s32 $0xFFFEC780  }
0x20: {  	s16 =	sadd.s32 s16, s17;
	s15 =	smax.u32 s15, $0x1;
	[bflag:$0x0] =	sbarrier.arrive $0xFFFF  }
0x21: {  	[tilespmem:s6], [sflag:$0x2] =	stream.linear.gather [spmem:s7], $0x13C0, $0x38;
	[tilespmem:$0x1AE20] =	vst v63  }
0x22: {  	s16 =	sshrl.u32 s16, $0x3;
	p0 =	sne.s32 s15, $0x1;
	_ =	swait.ge [sflag:s5], $0x13C0  }
.Ltmp0:
0x23: {  	s14 =	sadd.s32 s16, s14;
	[sflag:s5] =	ssyncset.done $0x0;
	(pc) =	sbr.rel @!p0 .LBB2_2-.Ltmp0, $4  }
0x24: {  	s14 =	sadd.s32 $0x17400, s14;
	[sflag:s5] =	ssyncadd.s32 $0xFFFFEC40  }
0x25: {  	[hbm4b:s14+s3] =	stream.linear.scatter [tilespmem:s6], [sflag:$0x2], $0x13C0, $0x38;
	[tilespmem:$0x1AE20] =	vst v63  }
0x26: {  	_ =	swait.ge [sflag:s5], $0x13C0  }
0x27: {  	s15 =	sadd.s32 $0xFFFFFFFF, s15;
	[sflag:s5] =	ssyncset.done $0x0  }
.LBB2_1:
0x28: {  	p0 =	sne.s32 s15, $0x1;
	s15 =	sadd.s32 $0xFFFFFFFF, s15;
	[sflag:s5] =	ssyncadd.s32 $0xFFFFEC40  }
0x29: {  	[tilespmem:s6], [sflag:$0x2] =	stream.linear.gather [hbm4b:s4+s3], $0x13C0, $0x38;
	[tilespmem:$0x1AE20] =	vst v63  }
0x2a: {  	_ =	swait.ge [sflag:s5], $0x13C0  }
0x2b: {  	[sflag:s5] =	ssyncset.done $0x0  }
0x2c: {  	[sflag:s5] =	ssyncadd.s32 $0xFFFFEC40  }
0x2d: {  	[spmem:s7] =	stream.linear.scatter [tilespmem:s6], [sflag:$0x2], $0x13C0, $0x38;
	[tilespmem:$0x1AE20] =	vst v63  }
0x2e: {  	_ =	swait.ge [sflag:s5], $0x13C0  }
0x2f: {  	[sflag:s5] =	ssyncset.done $0x0  }
0x30: {  	[sflag:s5] =	ssyncadd.s32 $0xFFFFEC40  }
0x31: {  	[tilespmem:s3], [sflag:$0x2] =	stream.linear.gather [hbm4b:s8+s3], $0x2710, $0x38;
	[tilespmem:$0x1AE20] =	vst v63  }
0x32: {  	_ =	swait.ge [sflag:s5], $0x2710  }
0x33: {  	[sflag:s5] =	ssyncset.done $0x0  }
0x34: {  	[sflag:s5] =	ssyncadd.s32 $0xFFFFD8F0  }
0x35: {  	[tilespmem:s10], [sflag:$0x2] =	stream.linear.gather [hbm4b:s9+s3], $0x2710, $0x38;
	[tilespmem:$0x1AE20] =	vst v63  }
0x36: {  	_ =	swait.ge [sflag:s5], $0x2710  }
0x37: {  	[sflag:s5] =	ssyncset.done $0x0  }
0x38: {  	[sflag:s5] =	ssyncadd.s32 $0xFFFFD8F0  }
0x39: {  	[bflag:$0x0] =	sbarrier.arrive $0xFFFF  }
0x3a: {  	[tilespmem:s12], [sflag:$0x1] =	stream.indirect.gather [hbm4b:s11+s10], $0x8, s3, s10, $0xb8;
	[tilespmem:$0x1AE20] =	vst v63  }
0x3b: {  	_ =	swait.ge [sflag:s13], $0x13880  }
0x3c: {  	[sflag:s13] =	ssyncset.done $0x0  }
0x3d: {  	[sflag:s13] =	ssyncadd.s32 $0xFFFEC780  }
0x3e: {  	[spmem:s1] =	stream.indirect.scatter.add.f32 [tilespmem:s12], [sflag:$0x2], $0x8, s10, s10, $0xb8;
	[tilespmem:$0x1AE20] =	vst v63  }
0x3f: {  	_ =	swait.ge [sflag:s5], $0x13880  }
0x40: {  	[sflag:s5] =	ssyncset.done $0x0  }
0x41: {  	[sflag:s5] =	ssyncadd.s32 $0xFFFEC780  }
0x42: {  	[bflag:$0x0] =	sbarrier.arrive $0xFFFF  }
0x43: {  	[tilespmem:s6], [sflag:$0x2] =	stream.linear.gather [spmem:s7], $0x13C0, $0x38;
	[tilespmem:$0x1AE20] =	vst v63  }
0x44: {  	_ =	swait.ge [sflag:s5], $0x13C0  }
.Ltmp1:
0x45: {  	[sflag:s5] =	ssyncset.done $0x0;
	(pc) =	sbr.rel @p0 .LBB2_1-.Ltmp1, $4  }
0x46: {  	[sflag:s5] =	ssyncadd.s32 $0xFFFFEC40  }
0x47: {  	[hbm4b:s14+s3] =	stream.linear.scatter [tilespmem:s6], [sflag:$0x2], $0x13C0, $0x38;
	[tilespmem:$0x1AE20] =	vst v63  }
0x48: {  	_ =	swait.ge [sflag:s5], $0x13C0  }
0x49: {  	[sflag:s5] =	ssyncset.done $0x0  }
.LBB2_2:
0x4a: {  	[sflag:s5] =	ssyncadd.s32 $0xFFFFEC40  }
0x4b: {  	_ =	sfence.sel $0x180000  }
0x4c: {  	[bflag:$0x0] =	sbarrier.arrive $0xFFFF  }
0x4d: {  	p0 =	sne.s32 s2, $0x0;
	_ =	strace $0x90000047  }
0x4e: {  	s0 =	sadd.s32 @!p0 $0x100000, s0;
	[bflag:$0x2] =	sbarrier.arrive $0xFFFF  }
0x4f: {  	[sflag:s0] =	ssyncadd.tile.s32 @!p0 $0x1;
	_ =	shalt  }
.Lfunc_end2:
_tile_overlayer_lowered:
.L_overlay_start_2:
0x50: {  	(tag) =	ssettag $0x2  }
0x51: {  	s0 =	rddreg [dreg:$0x0];
	s2 =	stileid.u32  }
0x52: {  	s1 =	rddreg [dreg:$0x1];
	p0 =	sne.s32 s2, $0x0  }
0x53: {  	s3 =	rddreg [dreg:$0x2];
	[bflag:$0x3] =	sbarrier.arrive $0xFFFF;
	s2 =	simm.s32 @!p0 $0x1C02  }
0x54: {  	[timem:s3], [sflag:s2] =	dma.local @!p0 [hbm:s0], s1  }
0x55: {  	s0 =	simm.s32 @!p0 $0x2  }
0x56: {  	_ =	swait.ge @!p0 [sflag:s0], s1  }
0x57: {  	s1 =	ssub.s32 @!p0 $0x0, s1;
	[sflag:s0] =	ssyncset.done @!p0 $0x0  }
0x58: {  	[sflag:s0] =	ssyncadd.s32 @!p0 s1  }
0x59: {  	[bflag:$0x3] =	sbarrier.arrive $0xFFFF  }
0x5a: {  	_ =	shalt  }

</sc_bundles>
